<compile_context>
chip_gen: v7x
topology: tpu7x:2x2x1
jax: 0.10.2.dev20260603
libtpu: 0.0.44.dev20260713+nightly
codegen_flags: <defaults>
</compile_context>

<pallas_src>
import functools
import math

import jax
import jax.numpy as jnp
from jax import lax
from jax.experimental import pallas as pl
from jax.experimental.pallas import tpu as pltpu
from jax.experimental.pallas import tpu_sc as plsc

_RCUT = 6.0
_P = 6
_LANES = 16


def _sc_gather_fn(nall, nloc, nnei, atom_base=0):
    edges = nloc * nnei
    info = plsc.get_sparse_core_info()
    nc, ns = info.num_cores, info.num_subcores
    nw = nc * ns
    assert edges % nw == 0
    epw = edges // nw
    assert epw % _LANES == 0

    mesh = plsc.VectorSubcoreMesh(core_axis_name="c", subcore_axis_name="s")

    @functools.partial(
        pl.kernel,
        mesh=mesh,
        compiler_params=pltpu.CompilerParams(needs_layout_passes=False),
        out_type=[
            jax.ShapeDtypeStruct((edges,), jnp.float32),
            jax.ShapeDtypeStruct((edges,), jnp.int32),
        ],
        scratch_types=[
            pltpu.VMEM((nall,), jnp.float32),
            pltpu.VMEM((nall,), jnp.float32),
            pltpu.VMEM((nall,), jnp.float32),
            pltpu.VMEM((nall,), jnp.int32),
            pltpu.VMEM((epw,), jnp.int32),
            pltpu.VMEM((epw,), jnp.float32),
            pltpu.VMEM((epw,), jnp.int32),
        ],
    )
    def sc_fn(xh, yh, zh, th, nlh, d2h, tsh, xv, yv, zv, tv, nlv, d2v, tsv):
        wid = lax.axis_index("s") * nc + lax.axis_index("c")
        base = wid * epw
        pltpu.sync_copy(xh, xv)
        pltpu.sync_copy(yh, yv)
        pltpu.sync_copy(zh, zv)
        pltpu.sync_copy(th, tv)
        pltpu.sync_copy(nlh.at[pl.ds(base, epw)], nlv)

        def body(i, carry):
            sl = pl.ds(i * _LANES, _LANES)
            j = nlv[sl]
            atom = atom_base + (base + i * _LANES) // nnei
            di = jnp.full((_LANES,), atom, dtype=jnp.int32)
            xs = plsc.load_gather(xv, [j])
            ys = plsc.load_gather(yv, [j])
            zs = plsc.load_gather(zv, [j])
            xd = plsc.load_gather(xv, [di])
            yd = plsc.load_gather(yv, [di])
            zd = plsc.load_gather(zv, [di])
            dx = xs - xd
            dy = ys - yd
            dz = zs - zd
            d2v[sl] = dx * dx + dy * dy + dz * dz
            tsv[sl] = plsc.load_gather(tv, [j])
            return carry

        lax.fori_loop(0, epw // _LANES, body, 0)
        pltpu.sync_copy(d2v, d2h.at[pl.ds(base, epw)])
        pltpu.sync_copy(tsv, tsh.at[pl.ds(base, epw)])

    return sc_fn


def _tmm(a, b):
    return lax.dot_general(
        a, b, (((0,), (0,)), ((), ())), preferred_element_type=jnp.float32
    )


def _tc_body(nnei, num_radial, ntypes, e_dim,
             d2_ref, ts_ref, tl_ref, te_ref, wi_ref, nw_ref, wo_ref,
             wd_ref, ws_ref, we_ref, nodew_ref, out_ref):
    bb = out_ref.shape[0]
    eb = bb * nnei

    d2 = d2_ref[...].reshape(1, eb)
    dist = jnp.sqrt(d2 + 1e-12)
    ds = dist * (1.0 / _RCUT)
    dsc = jnp.clip(ds, 0.0, 1.0)
    x2 = dsc * dsc
    xp = x2 * x2 * x2
    env = (1.0
           - 0.5 * (_P + 1) * (_P + 2) * xp
           + _P * (_P + 2) * (xp * dsc)
           - 0.5 * _P * (_P + 1) * (xp * x2))
    pref = math.sqrt(2.0 / _RCUT)
    coef = (pref * env) / (dist + 1e-8)
    theta = ds * math.pi
    s1 = jnp.sin(theta)
    c2 = 2.0 * jnp.cos(theta)
    rows = [s1, c2 * s1]
    for _ in range(num_radial - 2):
        rows.append(c2 * rows[-1] - rows[-2])
    rbf_t = jnp.concatenate(rows[:num_radial], axis=0) * coef

    wi = wi_ref[...]
    val = _tmm(rbf_t, wi[:, :e_dim])
    gate = _tmm(rbf_t, wi[:, e_dim:])
    sig = 1.0 / (1.0 + jnp.exp(-gate))
    g = val * (gate * sig)
    ones = jnp.full((e_dim, e_dim), 1.0 / e_dim, dtype=jnp.float32)
    ms = jnp.dot(g * g, ones, preferred_element_type=jnp.float32)
    g = g * lax.rsqrt(ms + 1e-6)
    wo2 = nw_ref[...] * wo_ref[...]
    e = jnp.dot(g, wo2, preferred_element_type=jnp.float32)

    ts = ts_ref[...].reshape(1, eb)
    oh_s = (lax.broadcasted_iota(jnp.int32, (ntypes, eb), 0) == ts
            ).astype(jnp.float32)
    te = te_ref[...]
    we = we_ref[...]
    ws = ws_ref[...]
    src_proj_s = jnp.dot(te, ws[:, :e_dim], preferred_element_type=jnp.float32)
    src_proj_v = jnp.dot(te, ws[:, e_dim:], preferred_element_type=jnp.float32)
    score = (jnp.dot(e, we[:, :e_dim], preferred_element_type=jnp.float32)
             + _tmm(oh_s, src_proj_s)).reshape(bb, nnei, e_dim)
    value = (jnp.dot(e, we[:, e_dim:], preferred_element_type=jnp.float32)
             + _tmm(oh_s, src_proj_v)).reshape(bb, nnei, e_dim)

    ex = jnp.exp(score)
    num = jnp.sum(ex * value, axis=1)
    den = jnp.sum(ex, axis=1)
    agg = num / (den + 1e-12)

    tl = tl_ref[...].reshape(1, bb)
    oh_d = (lax.broadcasted_iota(jnp.int32, (ntypes, bb), 0) == tl
            ).astype(jnp.float32)
    dst_proj_v = jnp.dot(te, wd_ref[...][:, e_dim:],
                         preferred_element_type=jnp.float32)
    agg = agg + _tmm(oh_d, dst_proj_v)
    node_loc = _tmm(oh_d, te)

    out_ref[...] = node_loc + jnp.dot(agg, nodew_ref[...],
                                      preferred_element_type=jnp.float32)


def _tc_call(d2, ts, t_loc, type_embed, edge_w_in, edge_norm_w, edge_w_out,
             msg_w_dst, msg_w_src, msg_w_e, node_w, nloc, nnei, bb,
             interpret=False):
    num_radial = edge_w_in.shape[0]
    ntypes, n_dim = type_embed.shape
    e_dim = edge_w_out.shape[0]
    nloc_p = -(-nloc // bb) * bb
    if nloc_p != nloc:
        pad_e = (nloc_p - nloc) * nnei
        d2 = jnp.concatenate([d2, jnp.ones((pad_e,), d2.dtype)])
        ts = jnp.concatenate([ts, jnp.zeros((pad_e,), ts.dtype)])
        t_loc = jnp.concatenate(
            [t_loc, jnp.zeros((nloc_p - nloc,), t_loc.dtype)])
    eb = bb * nnei
    grid = (nloc_p // bb,)

    full = lambda shape: pl.BlockSpec(shape, lambda i: (0, 0))
    body = functools.partial(_tc_body, nnei, num_radial, ntypes, e_dim)
    return pl.pallas_call(
        body,
        grid=grid,
        in_specs=[
            pl.BlockSpec((eb,), lambda i: (i,)),
            pl.BlockSpec((eb,), lambda i: (i,)),
            pl.BlockSpec((1, 1, bb), lambda i: (i, 0, 0)),
            full((ntypes, n_dim)),
            full((num_radial, 2 * e_dim)),
            full((e_dim, 1)),
            full((e_dim, e_dim)),
            full((n_dim, 2 * e_dim)),
            full((n_dim, 2 * e_dim)),
            full((e_dim, 2 * e_dim)),
            full((e_dim, n_dim)),
        ],
        out_specs=pl.BlockSpec((bb, n_dim), lambda i: (i, 0)),
        out_shape=jax.ShapeDtypeStruct((nloc_p, n_dim), jnp.float32),
        compiler_params=pltpu.CompilerParams(fuse_transposed_lhs_in_matmul=True),
        interpret=interpret,
    )(d2, ts,
      t_loc.reshape(nloc_p // bb, 1, bb),
      type_embed, edge_w_in, edge_norm_w.reshape(e_dim, 1), edge_w_out,
      msg_w_dst, msg_w_src, msg_w_e, node_w)[:nloc]


def kernel(extended_coord, extended_atype, nlist, type_embed, edge_w_in,
           edge_norm_w, edge_w_out, msg_w_dst, msg_w_src, msg_w_e, node_w):
    nf, nall, _ = extended_coord.shape
    _, nloc, nnei = nlist.shape
    n_dim = type_embed.shape[1]
    assert nf == 1

    coord = extended_coord[0]
    x = coord[:, 0]
    y = coord[:, 1]
    z = coord[:, 2]
    t_ext = extended_atype[0].astype(jnp.int32)
    nl_flat = nlist[0].reshape(-1).astype(jnp.int32)

    d2, ts = _sc_gather_fn(nall, nloc, nnei)(x, y, z, t_ext, nl_flat)

    t_loc = t_ext[:nloc]
    out = _tc_call(d2, ts, t_loc, type_embed, edge_w_in, edge_norm_w,
                   edge_w_out, msg_w_dst, msg_w_src, msg_w_e, node_w,
                   nloc, nnei, bb=512)
    return out.reshape(nf, nloc, n_dim)

# --- scband reference (transcript-rebuilt; emitter-appended) ---
"""Pipeline reference for scband-descrpt-dpa3-next-22402549416333 (READ-ONLY COPY).

The authoritative reference and input builder live on the scoring server;
editing this copy changes nothing except your own understanding.
"""

import math
import jax, jax.numpy as jnp
import numpy as np

NF = 1
NLOC = 10000
NALL = 12288
NNEI = 32
NTYPES = 8
N_DIM = 128
E_DIM = 64
NUM_RADIAL = 12
RCUT = 6.0
P = 6


def _envelope(x):
    p = P
    x = jnp.clip(x, 0.0, 1.0)
    xp = x ** p
    return 1.0 - 0.5 * (p + 1) * (p + 2) * xp + p * (p + 2) * (xp * x) - 0.5 * p * (p + 1) * (xp * x * x)


def _bessel_rbf(dist):
    freq = jnp.arange(1, NUM_RADIAL + 1, dtype=jnp.float32) * math.pi
    d = dist[..., None]
    ds = d / RCUT
    env = _envelope(ds)
    pref = math.sqrt(2.0 / RCUT)
    rbf = pref * jnp.sin(freq * ds) / (d + 1e-8)
    return rbf * env


def _rmsnorm(x, w):
    rms = jnp.sqrt(jnp.mean(x * x, axis=-1, keepdims=True) + 1e-6)
    return x / rms * w


def _gated_mlp(x, w_in, norm_w, w_out):
    h = x @ w_in
    value, gate = jnp.split(h, 2, axis=-1)
    h = value * jax.nn.silu(gate)
    h = _rmsnorm(h, norm_w)
    return h @ w_out


def _dimwise_softmax(features, index, num_segments):
    seg_max = jax.ops.segment_max(features, index, num_segments=num_segments)
    seg_max = jnp.where(jnp.isfinite(seg_max), seg_max, 0.0)
    mx = seg_max[index]
    ex = jnp.exp(features - mx)
    seg_sum = jax.ops.segment_sum(ex, index, num_segments=num_segments)
    return ex / (seg_sum[index] + 1e-12)


def setup_inputs(seed: int = 0):
    key = jax.random.key(seed)
    ks = jax.random.split(key, 12)
    extended_coord = jax.random.normal(ks[0], (NF, NALL, 3), dtype=jnp.float32) * 3.0
    extended_atype = jax.random.randint(ks[1], (NF, NALL), 0, NTYPES)
    nlist = jax.random.randint(ks[2], (NF, NLOC, NNEI), 0, NALL)
    type_embed = jax.random.normal(ks[3], (NTYPES, N_DIM), dtype=jnp.float32) * 0.1
    edge_w_in = jax.random.normal(ks[4], (NUM_RADIAL, 2 * E_DIM), dtype=jnp.float32) * 0.2
    edge_norm_w = jnp.ones((E_DIM,), dtype=jnp.float32)
    edge_w_out = jax.random.normal(ks[5], (E_DIM, E_DIM), dtype=jnp.float32) * 0.1
    msg_w_dst = jax.random.normal(ks[6], (N_DIM, 2 * E_DIM), dtype=jnp.float32) * 0.05
    msg_w_src = jax.random.normal(ks[7], (N_DIM, 2 * E_DIM), dtype=jnp.float32) * 0.05
    msg_w_e = jax.random.normal(ks[8], (E_DIM, 2 * E_DIM), dtype=jnp.float32) * 0.05
    node_w = jax.random.normal(ks[9], (E_DIM, N_DIM), dtype=jnp.float32) * 0.1
    return {
        "extended_coord": extended_coord,
        "extended_atype": extended_atype,
        "nlist": nlist,
        "type_embed": type_embed,
        "edge_w_in": edge_w_in,
        "edge_norm_w": edge_norm_w,
        "edge_w_out": edge_w_out,
        "msg_w_dst": msg_w_dst,
        "msg_w_src": msg_w_src,
        "msg_w_e": msg_w_e,
        "node_w": node_w,
    }


def reference(extended_coord, extended_atype, nlist, type_embed, edge_w_in, edge_norm_w, edge_w_out, msg_w_dst, msg_w_src, msg_w_e, node_w):
    nf, nall, _ = extended_coord.shape
    _, nloc, nnei = nlist.shape
    coord_loc = extended_coord[:, :nloc]
    nbr = jnp.take_along_axis(extended_coord, nlist.reshape(nf, nloc * nnei)[..., None], axis=1)
    diff = nbr.reshape(nf, nloc, nnei, 3) - coord_loc[:, :, None, :]
    dist = jnp.sqrt(jnp.sum(diff * diff, axis=-1) + 1e-12)
    rbf = _bessel_rbf(dist)
    edge_feat = _gated_mlp(rbf, edge_w_in, edge_norm_w, edge_w_out)
    node_feat = type_embed[extended_atype]
    node_loc = node_feat[:, :nloc].reshape(nf * nloc, N_DIM)
    node_flat = node_feat.reshape(nf * nall, N_DIM)
    n2e = jnp.repeat(jnp.arange(nf * nloc), nnei)
    frame_shift = (jnp.arange(nf) * nall)[:, None, None]
    n_ext2e = (nlist + frame_shift).reshape(-1)
    h_dst = node_loc[n2e]
    h_src = node_flat[n_ext2e]
    e = edge_feat.reshape(nf * nloc * nnei, E_DIM)
    m = h_dst @ msg_w_dst + h_src @ msg_w_src + e @ msg_w_e
    score_f, value = jnp.split(m, 2, axis=-1)
    scores = _dimwise_softmax(score_f, n2e, nf * nloc)
    agg = jax.ops.segment_sum(scores * value, n2e, num_segments=nf * nloc)
    node_out = node_loc + agg @ node_w
    return node_out.reshape(nf, nloc, N_DIM)

if __name__ == "__main__":
    import jax
    _d = setup_inputs()
    print(jax.jit(kernel)(*tuple(_d.values())))

</pallas_src>

<mosaic_0001>
#map = affine_map<(d0, d1) -> (0)>
module attributes {stable_mosaic.version = 14 : i64} {
  func.func @sc_fn(%arg0: i32, %arg1: i32, %arg2: memref<12288xf32, #tpu.memory_space<hbm>>, %arg3: memref<12288xf32, #tpu.memory_space<hbm>>, %arg4: memref<12288xf32, #tpu.memory_space<hbm>>, %arg5: memref<12288xi32, #tpu.memory_space<hbm>>, %arg6: memref<320000xi32, #tpu.memory_space<hbm>>, %arg7: memref<320000xf32, #tpu.memory_space<hbm>>, %arg8: memref<320000xi32, #tpu.memory_space<hbm>>, %arg9: memref<12288xf32, #tpu.memory_space<vmem>>, %arg10: memref<12288xf32, #tpu.memory_space<vmem>>, %arg11: memref<12288xf32, #tpu.memory_space<vmem>>, %arg12: memref<12288xi32, #tpu.memory_space<vmem>>, %arg13: memref<10000xi32, #tpu.memory_space<vmem>>, %arg14: memref<10000xf32, #tpu.memory_space<vmem>>, %arg15: memref<10000xi32, #tpu.memory_space<vmem>>) attributes {dimension_semantics = [#tpu.dimension_semantics<core_parallel>, #tpu.dimension_semantics<subcore_parallel>], iteration_bounds = array<i64: 2, 16>, scalar_prefetch = 0 : i64, scratch_operands = 7 : i64, tpu.core_type = #tpu.core_type<sc_vector_subcore>, window_params = [{transform_indices = #map}, {transform_indices = #map}, {transform_indices = #map}, {transform_indices = #map}, {transform_indices = #map}, {transform_indices = #map}, {transform_indices = #map}]} {
    %mul3A = arith.constant 2 : i32
    %mul3A_0 = arith.muli %arg1, %mul3A : i32
    %add3A = arith.addi %mul3A_0, %arg0 : i32
    %mul3A_1 = arith.constant 10000 : i32
    %mul3A_2 = arith.muli %add3A, %mul3A_1 : i32
    "tpu.region"() ({
      %run_scoped3A = tpu.sem_alloc : memref<!tpu.dma_semaphore, #tpu.memory_space<semaphore_mem>>
      tpu.enqueue_dma source(%arg2 : memref<12288xf32, #tpu.memory_space<hbm>>) target(%arg9 : memref<12288xf32, #tpu.memory_space<vmem>>) target_semaphore(%run_scoped3A : memref<!tpu.dma_semaphore, #tpu.memory_space<semaphore_mem>>)
      tpu.wait_dma2 semaphore(%run_scoped3A : memref<!tpu.dma_semaphore, #tpu.memory_space<semaphore_mem>>) src(%arg2 : memref<12288xf32, #tpu.memory_space<hbm>>) dst(%arg9 : memref<12288xf32, #tpu.memory_space<vmem>>)
      tpu.yield
    }) : () -> ()
    "tpu.region"() ({
      %run_scoped3A = tpu.sem_alloc : memref<!tpu.dma_semaphore, #tpu.memory_space<semaphore_mem>>
      tpu.enqueue_dma source(%arg3 : memref<12288xf32, #tpu.memory_space<hbm>>) target(%arg10 : memref<12288xf32, #tpu.memory_space<vmem>>) target_semaphore(%run_scoped3A : memref<!tpu.dma_semaphore, #tpu.memory_space<semaphore_mem>>)
      tpu.wait_dma2 semaphore(%run_scoped3A : memref<!tpu.dma_semaphore, #tpu.memory_space<semaphore_mem>>) src(%arg3 : memref<12288xf32, #tpu.memory_space<hbm>>) dst(%arg10 : memref<12288xf32, #tpu.memory_space<vmem>>)
      tpu.yield
    }) : () -> ()
    "tpu.region"() ({
      %run_scoped3A = tpu.sem_alloc : memref<!tpu.dma_semaphore, #tpu.memory_space<semaphore_mem>>
      tpu.enqueue_dma source(%arg4 : memref<12288xf32, #tpu.memory_space<hbm>>) target(%arg11 : memref<12288xf32, #tpu.memory_space<vmem>>) target_semaphore(%run_scoped3A : memref<!tpu.dma_semaphore, #tpu.memory_space<semaphore_mem>>)
      tpu.wait_dma2 semaphore(%run_scoped3A : memref<!tpu.dma_semaphore, #tpu.memory_space<semaphore_mem>>) src(%arg4 : memref<12288xf32, #tpu.memory_space<hbm>>) dst(%arg11 : memref<12288xf32, #tpu.memory_space<vmem>>)
      tpu.yield
    }) : () -> ()
    "tpu.region"() ({
      %run_scoped3A = tpu.sem_alloc : memref<!tpu.dma_semaphore, #tpu.memory_space<semaphore_mem>>
      tpu.enqueue_dma source(%arg5 : memref<12288xi32, #tpu.memory_space<hbm>>) target(%arg12 : memref<12288xi32, #tpu.memory_space<vmem>>) target_semaphore(%run_scoped3A : memref<!tpu.dma_semaphore, #tpu.memory_space<semaphore_mem>>)
      tpu.wait_dma2 semaphore(%run_scoped3A : memref<!tpu.dma_semaphore, #tpu.memory_space<semaphore_mem>>) src(%arg5 : memref<12288xi32, #tpu.memory_space<hbm>>) dst(%arg12 : memref<12288xi32, #tpu.memory_space<vmem>>)
      tpu.yield
    }) : () -> ()
    "tpu.region"() ({
      %run_scoped3A = tpu.sem_alloc : memref<!tpu.dma_semaphore, #tpu.memory_space<semaphore_mem>>
      %dma_start3A = tpu.memref_slice %arg6[%mul3A_2] : memref<320000xi32, #tpu.memory_space<hbm>> -> memref<10000xi32, #tpu.memory_space<hbm>>
      %dma_start3A_8 = tpu.memref_slice %arg6[%mul3A_2] : memref<320000xi32, #tpu.memory_space<hbm>> -> memref<10000xi32, #tpu.memory_space<hbm>>
      tpu.enqueue_dma source(%dma_start3A_8 : memref<10000xi32, #tpu.memory_space<hbm>>) target(%arg13 : memref<10000xi32, #tpu.memory_space<vmem>>) target_semaphore(%run_scoped3A : memref<!tpu.dma_semaphore, #tpu.memory_space<semaphore_mem>>)
      %dma_wait3A = tpu.memref_slice %arg6[%mul3A_2] : memref<320000xi32, #tpu.memory_space<hbm>> -> memref<10000xi32, #tpu.memory_space<hbm>>
      %dma_wait3A_9 = tpu.memref_slice %arg6[%mul3A_2] : memref<320000xi32, #tpu.memory_space<hbm>> -> memref<10000xi32, #tpu.memory_space<hbm>>
      tpu.wait_dma2 semaphore(%run_scoped3A : memref<!tpu.dma_semaphore, #tpu.memory_space<semaphore_mem>>) src(%dma_wait3A_9 : memref<10000xi32, #tpu.memory_space<hbm>>) dst(%arg13 : memref<10000xi32, #tpu.memory_space<vmem>>)
      tpu.yield
    }) : () -> ()
    %scan3A = arith.constant 0 : i32
    %scan3A_3 = arith.constant 0 : i32
    %scan3A_4 = arith.constant 625 : i32
    %scan3A_5 = arith.addi %scan3A_3, %scan3A_4 : i32
    %scan3A_6 = arith.constant 1 : i32
    scf.for %scan3A_8 = %scan3A_3 to %scan3A_5 step %scan3A_6  : i32 {
      %mul3A_9 = arith.constant 16 : i32
      %mul3A_10 = arith.muli %scan3A_8, %mul3A_9 : i32
      %get3A = arith.index_cast %mul3A_10 : i32 to index
      %get3A_11 = tpu.vector_load %arg13[%get3A] {strides = array<i32>} : memref<10000xi32, #tpu.memory_space<vmem>>, vector<16xi32>,
      %mul3A_12 = arith.constant 16 : i32
      %mul3A_13 = arith.muli %scan3A_8, %mul3A_12 : i32
      %add3A_14 = arith.addi %mul3A_2, %mul3A_13 : i32
      %jit3A = arith.constant 32 : i32
      %div3A = arith.divsi %add3A_14, %jit3A : i32
      %sign3A = arith.constant 0 : i32
      %sign3A_15 = arith.cmpi sgt, %add3A_14, %sign3A : i32
      %sign3A_16 = arith.extui %sign3A_15 : i1 to i32
      %sign3A_17 = arith.constant 0 : i32
      %sign3A_18 = arith.cmpi slt, %add3A_14, %sign3A_17 : i32
      %sign3A_19 = arith.extui %sign3A_18 : i1 to i32
      %sign3A_20 = arith.subi %sign3A_16, %sign3A_19 : i32
      %sign3A_21 = arith.constant 0 : i32
      %sign3A_22 = arith.cmpi sgt, %jit3A, %sign3A_21 : i32
      %sign3A_23 = arith.extui %sign3A_22 : i1 to i32
      %sign3A_24 = arith.constant 0 : i32
      %sign3A_25 = arith.cmpi slt, %jit3A, %sign3A_24 : i32
      %sign3A_26 = arith.extui %sign3A_25 : i1 to i32
      %sign3A_27 = arith.subi %sign3A_23, %sign3A_26 : i32
      %ne3A = arith.cmpi ne, %sign3A_20, %sign3A_27 : i32
      %rem3A = arith.remsi %add3A_14, %jit3A : i32
      %ne3A_28 = arith.constant 0 : i32
      %ne3A_29 = arith.cmpi ne, %rem3A, %ne3A_28 : i32
      %and3A = arith.andi %ne3A, %ne3A_29 : i1
      %sub3A = arith.constant 1 : i32
      %sub3A_30 = arith.subi %div3A, %sub3A : i32
      %select_n3A = arith.select %and3A, %sub3A_30, %div3A : i32
      %add3A_31 = arith.constant 0 : i32
      %add3A_32 = arith.addi %add3A_31, %select_n3A : i32
      %broadcast_in_dim3A = vector.broadcast %add3A_32 : i32 to vector<16xi32>
      %gather3A = tpu.vector_load_idx %arg9[%get3A_11] : memref<12288xf32, #tpu.memory_space<vmem>>[vector<16xi32>], vector<16xf32>,
      %gather3A_33 = tpu.vector_load_idx %arg10[%get3A_11] : memref<12288xf32, #tpu.memory_space<vmem>>[vector<16xi32>], vector<16xf32>,
      %gather3A_34 = tpu.vector_load_idx %arg11[%get3A_11] : memref<12288xf32, #tpu.memory_space<vmem>>[vector<16xi32>], vector<16xf32>,
      %gather3A_35 = tpu.vector_load_idx %arg9[%broadcast_in_dim3A] : memref<12288xf32, #tpu.memory_space<vmem>>[vector<16xi32>], vector<16xf32>,
      %gather3A_36 = tpu.vector_load_idx %arg10[%broadcast_in_dim3A] : memref<12288xf32, #tpu.memory_space<vmem>>[vector<16xi32>], vector<16xf32>,
      %gather3A_37 = tpu.vector_load_idx %arg11[%broadcast_in_dim3A] : memref<12288xf32, #tpu.memory_space<vmem>>[vector<16xi32>], vector<16xf32>,
      %sub3A_38 = arith.subf %gather3A, %gather3A_35 : vector<16xf32>
      %sub3A_39 = arith.subf %gather3A_33, %gather3A_36 : vector<16xf32>
      %sub3A_40 = arith.subf %gather3A_34, %gather3A_37 : vector<16xf32>
      %mul3A_41 = arith.mulf %sub3A_38, %sub3A_38 : vector<16xf32>
      %mul3A_42 = arith.mulf %sub3A_39, %sub3A_39 : vector<16xf32>
      %add3A_43 = arith.addf %mul3A_41, %mul3A_42 : vector<16xf32>
      %mul3A_44 = arith.mulf %sub3A_40, %sub3A_40 : vector<16xf32>
      %add3A_45 = arith.addf %add3A_43, %mul3A_44 : vector<16xf32>
      %swap3A = arith.index_cast %mul3A_10 : i32 to index
      %swap3A_46 = tpu.vector_load %arg14[%swap3A] {strides = array<i32>} : memref<10000xf32, #tpu.memory_space<vmem>>, vector<16xf32>,
      tpu.vector_store %arg14[%swap3A], %add3A_45 {strides = array<i32>} : memref<10000xf32, #tpu.memory_space<vmem>>, vector<16xf32>,
      %gather3A_47 = tpu.vector_load_idx %arg12[%get3A_11] : memref<12288xi32, #tpu.memory_space<vmem>>[vector<16xi32>], vector<16xi32>,
      %swap3A_48 = arith.index_cast %mul3A_10 : i32 to index
      %swap3A_49 = tpu.vector_load %arg15[%swap3A_48] {strides = array<i32>} : memref<10000xi32, #tpu.memory_space<vmem>>, vector<16xi32>,
      tpu.vector_store %arg15[%swap3A_48], %gather3A_47 {strides = array<i32>} : memref<10000xi32, #tpu.memory_space<vmem>>, vector<16xi32>,
    }
    %scan3A_7 = arith.constant 625 : i32
    "tpu.region"() ({
      %run_scoped3A = tpu.sem_alloc : memref<!tpu.dma_semaphore, #tpu.memory_space<semaphore_mem>>
      %dma_start3A = tpu.memref_slice %arg7[%mul3A_2] : memref<320000xf32, #tpu.memory_space<hbm>> -> memref<10000xf32, #tpu.memory_space<hbm>>
      %dma_start3A_8 = tpu.memref_slice %arg7[%mul3A_2] : memref<320000xf32, #tpu.memory_space<hbm>> -> memref<10000xf32, #tpu.memory_space<hbm>>
      tpu.enqueue_dma source(%arg14 : memref<10000xf32, #tpu.memory_space<vmem>>) target(%dma_start3A_8 : memref<10000xf32, #tpu.memory_space<hbm>>) target_semaphore(%run_scoped3A : memref<!tpu.dma_semaphore, #tpu.memory_space<semaphore_mem>>)
      %dma_wait3A = tpu.memref_slice %arg7[%mul3A_2] : memref<320000xf32, #tpu.memory_space<hbm>> -> memref<10000xf32, #tpu.memory_space<hbm>>
      %dma_wait3A_9 = tpu.memref_slice %arg7[%mul3A_2] : memref<320000xf32, #tpu.memory_space<hbm>> -> memref<10000xf32, #tpu.memory_space<hbm>>
      tpu.wait_dma2 semaphore(%run_scoped3A : memref<!tpu.dma_semaphore, #tpu.memory_space<semaphore_mem>>) src(%arg14 : memref<10000xf32, #tpu.memory_space<vmem>>) dst(%dma_wait3A_9 : memref<10000xf32, #tpu.memory_space<hbm>>)
      tpu.yield
    }) : () -> ()
    "tpu.region"() ({
      %run_scoped3A = tpu.sem_alloc : memref<!tpu.dma_semaphore, #tpu.memory_space<semaphore_mem>>
      %dma_start3A = tpu.memref_slice %arg8[%mul3A_2] : memref<320000xi32, #tpu.memory_space<hbm>> -> memref<10000xi32, #tpu.memory_space<hbm>>
      %dma_start3A_8 = tpu.memref_slice %arg8[%mul3A_2] : memref<320000xi32, #tpu.memory_space<hbm>> -> memref<10000xi32, #tpu.memory_space<hbm>>
      tpu.enqueue_dma source(%arg15 : memref<10000xi32, #tpu.memory_space<vmem>>) target(%dma_start3A_8 : memref<10000xi32, #tpu.memory_space<hbm>>) target_semaphore(%run_scoped3A : memref<!tpu.dma_semaphore, #tpu.memory_space<semaphore_mem>>)
      %dma_wait3A = tpu.memref_slice %arg8[%mul3A_2] : memref<320000xi32, #tpu.memory_space<hbm>> -> memref<10000xi32, #tpu.memory_space<hbm>>
      %dma_wait3A_9 = tpu.memref_slice %arg8[%mul3A_2] : memref<320000xi32, #tpu.memory_space<hbm>> -> memref<10000xi32, #tpu.memory_space<hbm>>
      tpu.wait_dma2 semaphore(%run_scoped3A : memref<!tpu.dma_semaphore, #tpu.memory_space<semaphore_mem>>) src(%arg15 : memref<10000xi32, #tpu.memory_space<vmem>>) dst(%dma_wait3A_9 : memref<10000xi32, #tpu.memory_space<hbm>>)
      tpu.yield
    }) : () -> ()
    return
  }
}

module attributes {stable_mosaic.version = 14 : i64} {
  func.func @_tc_body(%arg0: i32, %arg1: memref<16384xf32, #tpu.memory_space<vmem>>, %arg2: memref<16384xi32, #tpu.memory_space<vmem>>, %arg3: memref<1x1x512xi32, #tpu.memory_space<vmem>>, %arg4: memref<8x128xf32, #tpu.memory_space<vmem>>, %arg5: memref<12x128xf32, #tpu.memory_space<vmem>>, %arg6: memref<64x1xf32, #tpu.memory_space<vmem>>, %arg7: memref<64x64xf32, #tpu.memory_space<vmem>>, %arg8: memref<128x128xf32, #tpu.memory_space<vmem>>, %arg9: memref<128x128xf32, #tpu.memory_space<vmem>>, %arg10: memref<64x128xf32, #tpu.memory_space<vmem>>, %arg11: memref<64x128xf32, #tpu.memory_space<vmem>>, %arg12: memref<512x128xf32, #tpu.memory_space<vmem>>) attributes {dimension_semantics = [#tpu.dimension_semantics<arbitrary>], iteration_bounds = array<i64: 20>, scalar_prefetch = 0 : i64, scratch_operands = 0 : i64, tpu.core_type = #tpu.core_type<tc>, window_params = [{transform_indices = @transform_0, window_bounds = array<i64: 16384>}, {transform_indices = @transform_1, window_bounds = array<i64: 16384>}, {transform_indices = @transform_2, window_bounds = array<i64: 1, 1, 512>}, {pipeline_mode = #tpu.pipeline_mode<synchronous>, transform_indices = @transform_3, window_bounds = array<i64: 8, 128>}, {pipeline_mode = #tpu.pipeline_mode<synchronous>, transform_indices = @transform_4, window_bounds = array<i64: 12, 128>}, {pipeline_mode = #tpu.pipeline_mode<synchronous>, transform_indices = @transform_5, window_bounds = array<i64: 64, 1>}, {pipeline_mode = #tpu.pipeline_mode<synchronous>, transform_indices = @transform_6, window_bounds = array<i64: 64, 64>}, {pipeline_mode = #tpu.pipeline_mode<synchronous>, transform_indices = @transform_7, window_bounds = array<i64: 128, 128>}, {pipeline_mode = #tpu.pipeline_mode<synchronous>, transform_indices = @transform_8, window_bounds = array<i64: 128, 128>}, {pipeline_mode = #tpu.pipeline_mode<synchronous>, transform_indices = @transform_9, window_bounds = array<i64: 64, 128>}, {pipeline_mode = #tpu.pipeline_mode<synchronous>, transform_indices = @transform_10, window_bounds = array<i64: 64, 128>}, {transform_indices = @transform_11, window_bounds = array<i64: 512, 128>}]} {
    %get3A = arith.constant 0 : index
    %get3A_0 = vector.load %arg1[%get3A] : memref<16384xf32, #tpu.memory_space<vmem>>, vector<16384xf32>
    %reshape3A = vector.shape_cast %get3A_0 : vector<16384xf32> to vector<1x16384xf32>
    %add3A = arith.constant 9.99999996E-13 : f32
    %add3A_1 = vector.broadcast %add3A : f32 to vector<1x16384xf32>
    %add3A_2 = arith.addf %reshape3A, %add3A_1 : vector<1x16384xf32>
    %sqrt3A = math.sqrt %add3A_2 : vector<1x16384xf32>
    %mul3A = arith.constant 0.166666672 : f32
    %mul3A_3 = vector.broadcast %mul3A : f32 to vector<1x16384xf32>
    %mul3A_4 = arith.mulf %sqrt3A, %mul3A_3 : vector<1x16384xf32>
    %jit3A = arith.constant 0.000000e+00 : f32
    %jit3A_5 = arith.constant 1.000000e+00 : f32
    %max3A = vector.broadcast %jit3A : f32 to vector<1x16384xf32>
    %max3A_6 = arith.maximumf %max3A, %mul3A_4 : vector<1x16384xf32>
    %min3A = vector.broadcast %jit3A_5 : f32 to vector<1x16384xf32>
    %min3A_7 = arith.minimumf %min3A, %max3A_6 : vector<1x16384xf32>
    %mul3A_8 = arith.mulf %min3A_7, %min3A_7 : vector<1x16384xf32>
    %mul3A_9 = arith.mulf %mul3A_8, %mul3A_8 : vector<1x16384xf32>
    %mul3A_10 = arith.mulf %mul3A_9, %mul3A_8 : vector<1x16384xf32>
    %mul3A_11 = arith.constant 2.800000e+01 : f32
    %mul3A_12 = vector.broadcast %mul3A_11 : f32 to vector<1x16384xf32>
    %mul3A_13 = arith.mulf %mul3A_12, %mul3A_10 : vector<1x16384xf32>
    %sub3A = arith.constant 1.000000e+00 : f32
    %sub3A_14 = vector.broadcast %sub3A : f32 to vector<1x16384xf32>
    %sub3A_15 = arith.subf %sub3A_14, %mul3A_13 : vector<1x16384xf32>
    %mul3A_16 = arith.mulf %mul3A_10, %min3A_7 : vector<1x16384xf32>
    %mul3A_17 = arith.constant 4.800000e+01 : f32
    %mul3A_18 = vector.broadcast %mul3A_17 : f32 to vector<1x16384xf32>
    %mul3A_19 = arith.mulf %mul3A_18, %mul3A_16 : vector<1x16384xf32>
    %add3A_20 = arith.addf %sub3A_15, %mul3A_19 : vector<1x16384xf32>
    %mul3A_21 = arith.mulf %mul3A_10, %mul3A_8 : vector<1x16384xf32>
    %mul3A_22 = arith.constant 2.100000e+01 : f32
    %mul3A_23 = vector.broadcast %mul3A_22 : f32 to vector<1x16384xf32>
    %mul3A_24 = arith.mulf %mul3A_23, %mul3A_21 : vector<1x16384xf32>
    %sub3A_25 = arith.subf %add3A_20, %mul3A_24 : vector<1x16384xf32>
    %mul3A_26 = arith.constant 0.577350259 : f32
    %mul3A_27 = vector.broadcast %mul3A_26 : f32 to vector<1x16384xf32>
    %mul3A_28 = arith.mulf %mul3A_27, %sub3A_25 : vector<1x16384xf32>
    %add3A_29 = arith.constant 9.99999993E-9 : f32
    %add3A_30 = vector.broadcast %add3A_29 : f32 to vector<1x16384xf32>
    %add3A_31 = arith.addf %sqrt3A, %add3A_30 : vector<1x16384xf32>
    %div3A = arith.divf %mul3A_28, %add3A_31 : vector<1x16384xf32>
    %mul3A_32 = arith.constant 3.14159274 : f32
    %mul3A_33 = vector.broadcast %mul3A_32 : f32 to vector<1x16384xf32>
    %mul3A_34 = arith.mulf %mul3A_4, %mul3A_33 : vector<1x16384xf32>
    %sin3A = math.sin %mul3A_34 : vector<1x16384xf32>
    %cos3A = math.cos %mul3A_34 : vector<1x16384xf32>
    %mul3A_35 = arith.constant 2.000000e+00 : f32
    %mul3A_36 = vector.broadcast %mul3A_35 : f32 to vector<1x16384xf32>
    %mul3A_37 = arith.mulf %mul3A_36, %cos3A : vector<1x16384xf32>
    %mul3A_38 = arith.mulf %mul3A_37, %sin3A : vector<1x16384xf32>
    %mul3A_39 = arith.mulf %mul3A_37, %mul3A_38 : vector<1x16384xf32>
    %sub3A_40 = arith.subf %mul3A_39, %sin3A : vector<1x16384xf32>
    %mul3A_41 = arith.mulf %mul3A_37, %sub3A_40 : vector<1x16384xf32>
    %sub3A_42 = arith.subf %mul3A_41, %mul3A_38 : vector<1x16384xf32>
    %mul3A_43 = arith.mulf %mul3A_37, %sub3A_42 : vector<1x16384xf32>
    %sub3A_44 = arith.subf %mul3A_43, %sub3A_40 : vector<1x16384xf32>
    %mul3A_45 = arith.mulf %mul3A_37, %sub3A_44 : vector<1x16384xf32>
    %sub3A_46 = arith.subf %mul3A_45, %sub3A_42 : vector<1x16384xf32>
    %mul3A_47 = arith.mulf %mul3A_37, %sub3A_46 : vector<1x16384xf32>
    %sub3A_48 = arith.subf %mul3A_47, %sub3A_44 : vector<1x16384xf32>
    %mul3A_49 = arith.mulf %mul3A_37, %sub3A_48 : vector<1x16384xf32>
    %sub3A_50 = arith.subf %mul3A_49, %sub3A_46 : vector<1x16384xf32>
    %mul3A_51 = arith.mulf %mul3A_37, %sub3A_50 : vector<1x16384xf32>
    %sub3A_52 = arith.subf %mul3A_51, %sub3A_48 : vector<1x16384xf32>
    %mul3A_53 = arith.mulf %mul3A_37, %sub3A_52 : vector<1x16384xf32>
    %sub3A_54 = arith.subf %mul3A_53, %sub3A_50 : vector<1x16384xf32>
    %mul3A_55 = arith.mulf %mul3A_37, %sub3A_54 : vector<1x16384xf32>
    %sub3A_56 = arith.subf %mul3A_55, %sub3A_52 : vector<1x16384xf32>
    %mul3A_57 = arith.mulf %mul3A_37, %sub3A_56 : vector<1x16384xf32>
    %sub3A_58 = arith.subf %mul3A_57, %sub3A_54 : vector<1x16384xf32>
    %concatenate3A = tpu.concatenate %sin3A, %mul3A_38, %sub3A_40, %sub3A_42, %sub3A_44, %sub3A_46, %sub3A_48, %sub3A_50, %sub3A_52, %sub3A_54, %sub3A_56, %sub3A_58 in 0 : vector<1x16384xf32>, vector<1x16384xf32>, vector<1x16384xf32>, vector<1x16384xf32>, vector<1x16384xf32>, vector<1x16384xf32>, vector<1x16384xf32>, vector<1x16384xf32>, vector<1x16384xf32>, vector<1x16384xf32>, vector<1x16384xf32>, vector<1x16384xf32> -> vector<12x16384xf32>
    %mul3A_59 = vector.broadcast %div3A : vector<1x16384xf32> to vector<12x16384xf32>
    %mul3A_60 = arith.mulf %concatenate3A, %mul3A_59 : vector<12x16384xf32>
    %get3A_61 = arith.constant 0 : index
    %get3A_62 = arith.constant 0 : index
    %get3A_63 = vector.load %arg5[%get3A_61, %get3A_62] : memref<12x128xf32, #tpu.memory_space<vmem>>, vector<12x128xf32>
    %slice3A = vector.extract_strided_slice %get3A_63 {offsets = [0, 0], sizes = [12, 64], strides = [1, 1]} : vector<12x128xf32> to vector<12x64xf32>
    %dot_general3A = arith.constant dense<0.000000e+00> : vector<16384x64xf32>
    %dot_general3A_64 = tpu.matmul %mul3A_60, %slice3A, %dot_general3A {dimension_numbers = #tpu.dot_dimension_numbers<[0], [0], [1], [1], [0, 1, 1, 1], [], []>, transpose_lhs_hint = true} : vector<12x16384xf32>, vector<12x64xf32>, vector<16384x64xf32> -> vector<16384x64xf32>
    %slice3A_65 = vector.extract_strided_slice %get3A_63 {offsets = [0, 64], sizes = [12, 64], strides = [1, 1]} : vector<12x128xf32> to vector<12x64xf32>
    %dot_general3A_66 = arith.constant dense<0.000000e+00> : vector<16384x64xf32>
    %dot_general3A_67 = tpu.matmul %mul3A_60, %slice3A_65, %dot_general3A_66 {dimension_numbers = #tpu.dot_dimension_numbers<[0], [0], [1], [1], [0, 1, 1, 1], [], []>, transpose_lhs_hint = true} : vector<12x16384xf32>, vector<12x64xf32>, vector<16384x64xf32> -> vector<16384x64xf32>
    %neg3A = arith.constant 0.000000e+00 : f32
    %neg3A_68 = vector.broadcast %neg3A : f32 to vector<16384x64xf32>
    %neg3A_69 = arith.subf %neg3A_68, %dot_general3A_67 : vector<16384x64xf32>
    %exp3A = math.exp %neg3A_69 : vector<16384x64xf32>
    %add3A_70 = arith.constant 1.000000e+00 : f32
    %add3A_71 = vector.broadcast %add3A_70 : f32 to vector<16384x64xf32>
    %add3A_72 = arith.addf %add3A_71, %exp3A : vector<16384x64xf32>
    %div3A_73 = arith.constant 1.000000e+00 : f32
    %div3A_74 = vector.broadcast %div3A_73 : f32 to vector<16384x64xf32>
    %div3A_75 = arith.divf %div3A_74, %add3A_72 : vector<16384x64xf32>
    %mul3A_76 = arith.mulf %dot_general3A_67, %div3A_75 : vector<16384x64xf32>
    %mul3A_77 = arith.mulf %dot_general3A_64, %mul3A_76 : vector<16384x64xf32>
    %broadcast_in_dim3A = arith.constant 1.562500e-02 : f32
    %broadcast_in_dim3A_78 = vector.broadcast %broadcast_in_dim3A : f32 to vector<64x64xf32>
    %mul3A_79 = arith.mulf %mul3A_77, %mul3A_77 : vector<16384x64xf32>
    %dot_general3A_80 = arith.constant dense<0.000000e+00> : vector<16384x64xf32>
    %dot_general3A_81 = tpu.matmul %mul3A_79, %broadcast_in_dim3A_78, %dot_general3A_80 {dimension_numbers = #tpu.dot_dimension_numbers<[1], [0], [0], [1], [0, 0, 1, 1], [], []>, transpose_lhs_hint = false} : vector<16384x64xf32>, vector<64x64xf32>, vector<16384x64xf32> -> vector<16384x64xf32>
    %add3A_82 = arith.constant 9.99999997E-7 : f32
    %add3A_83 = vector.broadcast %add3A_82 : f32 to vector<16384x64xf32>
    %add3A_84 = arith.addf %dot_general3A_81, %add3A_83 : vector<16384x64xf32>
    %rsqrt3A = math.rsqrt %add3A_84 : vector<16384x64xf32>
    %mul3A_85 = arith.mulf %mul3A_77, %rsqrt3A : vector<16384x64xf32>
    %get3A_86 = arith.constant 0 : index
    %get3A_87 = arith.constant 0 : index
    %get3A_88 = vector.load %arg6[%get3A_86, %get3A_87] : memref<64x1xf32, #tpu.memory_space<vmem>>, vector<64x1xf32>
    %get3A_89 = arith.constant 0 : index
    %get3A_90 = arith.constant 0 : index
    %get3A_91 = vector.load %arg7[%get3A_89, %get3A_90] : memref<64x64xf32, #tpu.memory_space<vmem>>, vector<64x64xf32>
    %mul3A_92 = vector.broadcast %get3A_88 : vector<64x1xf32> to vector<64x64xf32>
    %mul3A_93 = arith.mulf %mul3A_92, %get3A_91 : vector<64x64xf32>
    %dot_general3A_94 = arith.constant dense<0.000000e+00> : vector<16384x64xf32>
    %dot_general3A_95 = tpu.matmul %mul3A_85, %mul3A_93, %dot_general3A_94 {dimension_numbers = #tpu.dot_dimension_numbers<[1], [0], [0], [1], [0, 0, 1, 1], [], []>, transpose_lhs_hint = false} : vector<16384x64xf32>, vector<64x64xf32>, vector<16384x64xf32> -> vector<16384x64xf32>
    %get3A_96 = arith.constant 0 : index
    %get3A_97 = vector.load %arg2[%get3A_96] : memref<16384xi32, #tpu.memory_space<vmem>>, vector<16384xi32>
    %reshape3A_98 = vector.shape_cast %get3A_97 : vector<16384xi32> to vector<1x16384xi32>
    %iota3A = tpu.iota {dimensions = array<i32: 0>} : vector<8x16384xi32>
    %eq3A = vector.broadcast %reshape3A_98 : vector<1x16384xi32> to vector<8x16384xi32>
    %eq3A_99 = arith.cmpi eq, %iota3A, %eq3A : vector<8x16384xi32>
    %convert_element_type3A = arith.extui %eq3A_99 : vector<8x16384xi1> to vector<8x16384xi32>
    %convert_element_type3A_100 = arith.sitofp %convert_element_type3A : vector<8x16384xi32> to vector<8x16384xf32>
    %get3A_101 = arith.constant 0 : index
    %get3A_102 = arith.constant 0 : index
    %get3A_103 = vector.load %arg4[%get3A_101, %get3A_102] : memref<8x128xf32, #tpu.memory_space<vmem>>, vector<8x128xf32>
    %get3A_104 = arith.constant 0 : index
    %get3A_105 = arith.constant 0 : index
    %get3A_106 = vector.load %arg10[%get3A_104, %get3A_105] : memref<64x128xf32, #tpu.memory_space<vmem>>, vector<64x128xf32>
    %get3A_107 = arith.constant 0 : index
    %get3A_108 = arith.constant 0 : index
    %get3A_109 = vector.load %arg9[%get3A_107, %get3A_108] : memref<128x128xf32, #tpu.memory_space<vmem>>, vector<128x128xf32>
    %slice3A_110 = vector.extract_strided_slice %get3A_109 {offsets = [0, 0], sizes = [128, 64], strides = [1, 1]} : vector<128x128xf32> to vector<128x64xf32>
    %dot_general3A_111 = arith.constant dense<0.000000e+00> : vector<8x64xf32>
    %dot_general3A_112 = tpu.matmul %get3A_103, %slice3A_110, %dot_general3A_111 {dimension_numbers = #tpu.dot_dimension_numbers<[1], [0], [0], [1], [0, 0, 1, 1], [], []>, transpose_lhs_hint = false} : vector<8x128xf32>, vector<128x64xf32>, vector<8x64xf32> -> vector<8x64xf32>
    %slice3A_113 = vector.extract_strided_slice %get3A_109 {offsets = [0, 64], sizes = [128, 64], strides = [1, 1]} : vector<128x128xf32> to vector<128x64xf32>
    %dot_general3A_114 = arith.constant dense<0.000000e+00> : vector<8x64xf32>
    %dot_general3A_115 = tpu.matmul %get3A_103, %slice3A_113, %dot_general3A_114 {dimension_numbers = #tpu.dot_dimension_numbers<[1], [0], [0], [1], [0, 0, 1, 1], [], []>, transpose_lhs_hint = false} : vector<8x128xf32>, vector<128x64xf32>, vector<8x64xf32> -> vector<8x64xf32>
    %slice3A_116 = vector.extract_strided_slice %get3A_106 {offsets = [0, 0], sizes = [64, 64], strides = [1, 1]} : vector<64x128xf32> to vector<64x64xf32>
    %dot_general3A_117 = arith.constant dense<0.000000e+00> : vector<16384x64xf32>
    %dot_general3A_118 = tpu.matmul %dot_general3A_95, %slice3A_116, %dot_general3A_117 {dimension_numbers = #tpu.dot_dimension_numbers<[1], [0], [0], [1], [0, 0, 1, 1], [], []>, transpose_lhs_hint = false} : vector<16384x64xf32>, vector<64x64xf32>, vector<16384x64xf32> -> vector<16384x64xf32>
    %dot_general3A_119 = arith.constant dense<0.000000e+00> : vector<16384x64xf32>
    %dot_general3A_120 = tpu.matmul %convert_element_type3A_100, %dot_general3A_112, %dot_general3A_119 {dimension_numbers = #tpu.dot_dimension_numbers<[0], [0], [1], [1], [0, 1, 1, 1], [], []>, transpose_lhs_hint = true} : vector<8x16384xf32>, vector<8x64xf32>, vector<16384x64xf32> -> vector<16384x64xf32>
    %add3A_121 = arith.addf %dot_general3A_118, %dot_general3A_120 : vector<16384x64xf32>
    %reshape3A_122 = vector.shape_cast %add3A_121 : vector<16384x64xf32> to vector<512x32x64xf32>
    %slice3A_123 = vector.extract_strided_slice %get3A_106 {offsets = [0, 64], sizes = [64, 64], strides = [1, 1]} : vector<64x128xf32> to vector<64x64xf32>
    %dot_general3A_124 = arith.constant dense<0.000000e+00> : vector<16384x64xf32>
    %dot_general3A_125 = tpu.matmul %dot_general3A_95, %slice3A_123, %dot_general3A_124 {dimension_numbers = #tpu.dot_dimension_numbers<[1], [0], [0], [1], [0, 0, 1, 1], [], []>, transpose_lhs_hint = false} : vector<16384x64xf32>, vector<64x64xf32>, vector<16384x64xf32> -> vector<16384x64xf32>
    %dot_general3A_126 = arith.constant dense<0.000000e+00> : vector<16384x64xf32>
    %dot_general3A_127 = tpu.matmul %convert_element_type3A_100, %dot_general3A_115, %dot_general3A_126 {dimension_numbers = #tpu.dot_dimension_numbers<[0], [0], [1], [1], [0, 1, 1, 1], [], []>, transpose_lhs_hint = true} : vector<8x16384xf32>, vector<8x64xf32>, vector<16384x64xf32> -> vector<16384x64xf32>
    %add3A_128 = arith.addf %dot_general3A_125, %dot_general3A_127 : vector<16384x64xf32>
    %reshape3A_129 = vector.shape_cast %add3A_128 : vector<16384x64xf32> to vector<512x32x64xf32>
    %exp3A_130 = math.exp %reshape3A_122 : vector<512x32x64xf32>
    %mul3A_131 = arith.mulf %exp3A_130, %reshape3A_129 : vector<512x32x64xf32>
    %reduce_sum3A = arith.constant dense<0.000000e+00> : vector<512x64xf32>
    %reduce_sum3A_132 = vector.multi_reduction <add>, %mul3A_131, %reduce_sum3A [1] : vector<512x32x64xf32> to vector<512x64xf32>
    %reduce_sum3A_133 = arith.constant dense<0.000000e+00> : vector<512x64xf32>
    %reduce_sum3A_134 = vector.multi_reduction <add>, %exp3A_130, %reduce_sum3A_133 [1] : vector<512x32x64xf32> to vector<512x64xf32>
    %add3A_135 = arith.constant 9.99999996E-13 : f32
    %add3A_136 = vector.broadcast %add3A_135 : f32 to vector<512x64xf32>
    %add3A_137 = arith.addf %reduce_sum3A_134, %add3A_136 : vector<512x64xf32>
    %div3A_138 = arith.divf %reduce_sum3A_132, %add3A_137 : vector<512x64xf32>
    %get3A_139 = arith.constant 0 : index
    %get3A_140 = arith.constant 0 : index
    %get3A_141 = arith.constant 0 : index
    %get3A_142 = vector.load %arg3[%get3A_139, %get3A_140, %get3A_141] : memref<1x1x512xi32, #tpu.memory_space<vmem>>, vector<1x1x512xi32>
    %reshape3A_143 = vector.shape_cast %get3A_142 : vector<1x1x512xi32> to vector<1x512xi32>
    %iota3A_144 = tpu.iota {dimensions = array<i32: 0>} : vector<8x512xi32>
    %eq3A_145 = vector.broadcast %reshape3A_143 : vector<1x512xi32> to vector<8x512xi32>
    %eq3A_146 = arith.cmpi eq, %iota3A_144, %eq3A_145 : vector<8x512xi32>
    %convert_element_type3A_147 = arith.extui %eq3A_146 : vector<8x512xi1> to vector<8x512xi32>
    %convert_element_type3A_148 = arith.sitofp %convert_element_type3A_147 : vector<8x512xi32> to vector<8x512xf32>
    %get3A_149 = arith.constant 0 : index
    %get3A_150 = arith.constant 0 : index
    %get3A_151 = vector.load %arg8[%get3A_149, %get3A_150] : memref<128x128xf32, #tpu.memory_space<vmem>>, vector<128x128xf32>
    %slice3A_152 = vector.extract_strided_slice %get3A_151 {offsets = [0, 64], sizes = [128, 64], strides = [1, 1]} : vector<128x128xf32> to vector<128x64xf32>
    %dot_general3A_153 = arith.constant dense<0.000000e+00> : vector<8x64xf32>
    %dot_general3A_154 = tpu.matmul %get3A_103, %slice3A_152, %dot_general3A_153 {dimension_numbers = #tpu.dot_dimension_numbers<[1], [0], [0], [1], [0, 0, 1, 1], [], []>, transpose_lhs_hint = false} : vector<8x128xf32>, vector<128x64xf32>, vector<8x64xf32> -> vector<8x64xf32>
    %dot_general3A_155 = arith.constant dense<0.000000e+00> : vector<512x64xf32>
    %dot_general3A_156 = tpu.matmul %convert_element_type3A_148, %dot_general3A_154, %dot_general3A_155 {dimension_numbers = #tpu.dot_dimension_numbers<[0], [0], [1], [1], [0, 1, 1, 1], [], []>, transpose_lhs_hint = true} : vector<8x512xf32>, vector<8x64xf32>, vector<512x64xf32> -> vector<512x64xf32>
    %add3A_157 = arith.addf %div3A_138, %dot_general3A_156 : vector<512x64xf32>
    %dot_general3A_158 = arith.constant dense<0.000000e+00> : vector<512x128xf32>
    %dot_general3A_159 = tpu.matmul %convert_element_type3A_148, %get3A_103, %dot_general3A_158 {dimension_numbers = #tpu.dot_dimension_numbers<[0], [0], [1], [1], [0, 1, 1, 1], [], []>, transpose_lhs_hint = true} : vector<8x512xf32>, vector<8x128xf32>, vector<512x128xf32> -> vector<512x128xf32>
    %get3A_160 = arith.constant 0 : index
    %get3A_161 = arith.constant 0 : index
    %get3A_162 = vector.load %arg11[%get3A_160, %get3A_161] : memref<64x128xf32, #tpu.memory_space<vmem>>, vector<64x128xf32>
    %dot_general3A_163 = arith.constant dense<0.000000e+00> : vector<512x128xf32>
    %dot_general3A_164 = tpu.matmul %add3A_157, %get3A_162, %dot_general3A_163 {dimension_numbers = #tpu.dot_dimension_numbers<[1], [0], [0], [1], [0, 0, 1, 1], [], []>, transpose_lhs_hint = false} : vector<512x64xf32>, vector<64x128xf32>, vector<512x128xf32> -> vector<512x128xf32>
    %add3A_165 = arith.addf %dot_general3A_159, %dot_general3A_164 : vector<512x128xf32>
    %swap3A = arith.constant 0 : index
    %swap3A_166 = arith.constant 0 : index
    %swap3A_167 = vector.load %arg12[%swap3A, %swap3A_166] : memref<512x128xf32, #tpu.memory_space<vmem>>, vector<512x128xf32>
    tpu.vector_store %arg12[%swap3A, %swap3A_166], %add3A_165 {strides = array<i32>} : memref<512x128xf32, #tpu.memory_space<vmem>>, vector<512x128xf32>,
    return
  }
  func.func @transform_0(%arg0: i32) -> i32 {
    %c0_i32 = arith.constant 0 : i32
    return %arg0 : i32
  }
  func.func @transform_1(%arg0: i32) -> i32 {
    %c0_i32 = arith.constant 0 : i32
    return %arg0 : i32
  }
  func.func @transform_2(%arg0: i32) -> (i32, i32, i32) {
    %c0_i32 = arith.constant 0 : i32
    %c0_i32_0 = arith.constant 0 : i32
    %c0_i32_1 = arith.constant 0 : i32
    return %arg0, %c0_i32, %c0_i32_0 : i32, i32, i32
  }
  func.func @transform_3(%arg0: i32) -> (i32, i32) {
    %c0_i32 = arith.constant 0 : i32
    %c0_i32_0 = arith.constant 0 : i32
    %c0_i32_1 = arith.constant 0 : i32
    return %c0_i32, %c0_i32_0 : i32, i32
  }
  func.func @transform_4(%arg0: i32) -> (i32, i32) {
    %c0_i32 = arith.constant 0 : i32
    %c0_i32_0 = arith.constant 0 : i32
    %c0_i32_1 = arith.constant 0 : i32
    return %c0_i32, %c0_i32_0 : i32, i32
  }
  func.func @transform_5(%arg0: i32) -> (i32, i32) {
    %c0_i32 = arith.constant 0 : i32
    %c0_i32_0 = arith.constant 0 : i32
    %c0_i32_1 = arith.constant 0 : i32
    return %c0_i32, %c0_i32_0 : i32, i32
  }
  func.func @transform_6(%arg0: i32) -> (i32, i32) {
    %c0_i32 = arith.constant 0 : i32
    %c0_i32_0 = arith.constant 0 : i32
    %c0_i32_1 = arith.constant 0 : i32
    return %c0_i32, %c0_i32_0 : i32, i32
  }
  func.func @transform_7(%arg0: i32) -> (i32, i32) {
    %c0_i32 = arith.constant 0 : i32
    %c0_i32_0 = arith.constant 0 : i32
    %c0_i32_1 = arith.constant 0 : i32
    return %c0_i32, %c0_i32_0 : i32, i32
  }
  func.func @transform_8(%arg0: i32) -> (i32, i32) {
    %c0_i32 = arith.constant 0 : i32
    %c0_i32_0 = arith.constant 0 : i32
    %c0_i32_1 = arith.constant 0 : i32
    return %c0_i32, %c0_i32_0 : i32, i32
  }
  func.func @transform_9(%arg0: i32) -> (i32, i32) {
    %c0_i32 = arith.constant 0 : i32
    %c0_i32_0 = arith.constant 0 : i32
    %c0_i32_1 = arith.constant 0 : i32
    return %c0_i32, %c0_i32_0 : i32, i32
  }
  func.func @transform_10(%arg0: i32) -> (i32, i32) {
    %c0_i32 = arith.constant 0 : i32
    %c0_i32_0 = arith.constant 0 : i32
    %c0_i32_1 = arith.constant 0 : i32
    return %c0_i32, %c0_i32_0 : i32, i32
  }
  func.func @transform_11(%arg0: i32) -> (i32, i32) {
    %c0_i32 = arith.constant 0 : i32
    %c0_i32_0 = arith.constant 0 : i32
    return %arg0, %c0_i32 : i32, i32
  }
}

</mosaic_0001>

<sc_bundles>
// kernel: kernel.4.cloned.1.call-start
scs
__scs_entry_jumppad:
0x0: {  	(pc) =	sbr.rel $0x88, $3  }
0x1: {  	(tag) =	ssettag $0x0;
	lr =	simm.s32 $0x1  }
0x2: {  	[smem:$0x3F96] =	sst lr;
	_ =	strace $0xD0000000  }
0x3: {  	_ = 	snop  }
0x4: {  	_ = 	snop  }
0x5: {  	_ = 	snop  }
0x6: {  	_ = 	snop  }
0x7: {  	_ = 	snop  }
__scs_overlays_trampoline_lowered:
0x8: {  	[smem:$0x3FA5] =	sst s0  }
0x9: {  	[smem:$0x3FA6] =	sst s1  }
0xa: {  	[smem:$0x3FA7] =	sst s2  }
0xb: {  	[smem:$0x3FA8] =	sst s3  }
0xc: {  	[smem:$0x3FA9] =	sst s4  }
0xd: {  	[smem:$0x3FAA] =	sst s5  }
0xe: {  	[smem:$0x3FAB] =	sst s6  }
0xf: {  	[smem:$0x3FAC] =	sst s7  }
0x10: {  	[smem:$0x3FAD] =	sst s8  }
0x11: {  	[smem:$0x3FAE] =	sst s9;
	s0 =	simm.s32 @!p0 $0x0  }
0x12: {  	s1 =	sld [smem:$0x3F94];
	s0 =	simm.s32 @p0 $0x1  }
0x13: {  	[smem:$0x3FAF] =	sst s0;
	s0 =	simm.s32 @!p1 $0x0  }
0x14: {  	s2 =	sld [smem:$0x3F93];
	s0 =	simm.s32 @p1 $0x1  }
0x15: {  	[smem:$0x3FB0] =	sst s0;
	s0 =	simm.s32 @!p2 $0x0  }
0x16: {  	s3 =	sld [smem:$0x3FDB];
	s0 =	simm.s32 @p2 $0x1  }
0x17: {  	s4 =	simm.s32 $0x1BF5;
	[smem:$0x3FB2] =	sst s0  }
0x18: {  	s0 =	sld [smem:$0x3F95];
	_ =	swait.ge [sflag:s4], $0x0  }
0x19: {  	s7 =	sld [smem:$0x3F96]  }
0x1a: {  	s8 =	sadd.s32 $0xFFFFE003, lr  }
0x1b: {  	s9 =	sadd.s32 $0xFFFFFEF7, lr;
	s5 =	simm.s32 $0xFFFFFFFF;
	p2 =	slt.u32 s8, $0xFFFFF086  }
0x1c: {  	p1 =	slt.u32 s9, $0xF7A;
	s5 =	simm.s32 @!p2 $0x0  }
0x1d: {  	s5 =	simm.s32 @p1 $0x1;
	p0 =	seq.s32 s7, s2  }
0x1e: {  	s7 =	smul.u32 @!p0 $0xF7A, s2;
	p2 =	seq.s32 @!p0 s5, $0x0  }
0x1f: {  	s9 =	smul.u32 $0xF7A, s1;
	s8 =	simm.s32 @!p0 $0x1BF5;
	p2 =	por !p2, p0  }
0x20: {  	[sflag:s8] =	ssyncset.s32 @!p0 $0xFFFFF086;
	s6 =	sadd.s32 @!p0 s3, s7;
	s7 =	simm.s32 @!p0 $0x108  }
0x21: {  	s3 =	sadd.s32 s3, s9;
	s6 =	sadd.s32 @!p0 $0x88, s6;
	s7 =	simm.s32 @p2 $0x1082  }
0x22: {  	[simem:s7], [sflag:s8] =	dma.local @!p0 [hbm:s6], $0xF7A  }
0x23: {  	s9 =	sor.u32 $0xD0000000, s2;
	s6 =	simm.s32 $0x108;
	_ =	swait.ge @!p0 [sflag:s8], $0x0  }
0x24: {  	s3 =	sadd.s32 $0x88, s3;
	s6 =	simm.s32 @!p1 $0x1082;
	[sflag:s4] =	ssyncset.s32 $0xFFFFF086  }
0x25: {  	[simem:s6], [sflag:s4] =	dma.local [hbm:s3], $0xF7A  }
0x26: {  	[smem:$0x3F96] =	sst s1;
	(tag) =	ssettag s2;
	_ =	strace s9  }
0x27: {  	s1 =	sld [smem:$0x3FA6]  }
0x28: {  	s2 =	sld [smem:$0x3FA7]  }
0x29: {  	s4 =	sld [smem:$0x3FA9]  }
0x2a: {  	p0 =	seq.s32 s5, $0x0;
	s5 =	sld [smem:$0x3FAA]  }
0x2b: {  	s6 =	sld [smem:$0x3FAB]  }
0x2c: {  	s7 =	sld [smem:$0x3FAC]  }
0x2d: {  	s3 =	simm.s32 $0x108;
	s8 =	sld [smem:$0x3FAD]  }
0x2e: {  	s3 =	simm.s32 @!p0 $0x1082;
	s9 =	sld [smem:$0x3FAE]  }
0x2f: {  	lr =	sadd.s32 s0, s3;
	s0 =	sld [smem:$0x3FA5]  }
0x30: {  	s3 =	sld [smem:$0x3FA8]  }
0x31: {  	[smem:$0x3FB1] =	sst s10  }
0x32: {  	s10 =	sld [smem:$0x3FAF];
	_ =	sdelay $0x3  }
0x33: {  	p0 =	seq.s32 s10, $0x1;
	s10 =	sld [smem:$0x3FB1];
	_ =	sdelay $0x3  }
0x34: {  	[smem:$0x3FB1] =	sst s10  }
0x35: {  	s10 =	sld [smem:$0x3FB0];
	_ =	sdelay $0x3  }
0x36: {  	p1 =	seq.s32 s10, $0x1;
	s10 =	sld [smem:$0x3FB1];
	_ =	sdelay $0x3  }
0x37: {  	[smem:$0x3FB1] =	sst s10  }
0x38: {  	s10 =	sld [smem:$0x3FB2]  }
0x39: {  	_ = 	snop;
	(pc) =	sbr.ind lr, $3  }
0x3a: {  	_ = 	snop  }
0x3b: {  	_ = 	snop  }
0x3c: {  	p2 =	seq.s32 s10, $0x1;
	s10 =	sld [smem:$0x3FB1]  }
0x3d: {  	_ =	shalt  }
0x3e: {  	_ =	shalt  }
0x3f: {  	_ =	shalt  }
0x40: {  	_ =	shalt  }
0x41: {  	_ =	shalt  }
0x42: {  	_ =	shalt  }
0x43: {  	_ =	shalt  }
0x44: {  	_ =	shalt  }
0x45: {  	_ =	shalt  }
0x46: {  	_ =	shalt  }
0x47: {  	_ =	shalt  }
0x48: {  	_ =	shalt  }
0x49: {  	_ =	shalt  }
0x4a: {  	_ =	shalt  }
0x4b: {  	_ =	shalt  }
0x4c: {  	_ =	shalt  }
0x4d: {  	_ =	shalt  }
0x4e: {  	_ =	shalt  }
0x4f: {  	_ =	shalt  }
0x50: {  	_ =	shalt  }
0x51: {  	_ =	shalt  }
0x52: {  	_ =	shalt  }
0x53: {  	_ =	shalt  }
0x54: {  	_ =	shalt  }
0x55: {  	_ =	shalt  }
0x56: {  	_ =	shalt  }
0x57: {  	_ =	shalt  }
0x58: {  	_ =	shalt  }
0x59: {  	_ =	shalt  }
0x5a: {  	_ =	shalt  }
0x5b: {  	_ =	shalt  }
0x5c: {  	_ =	shalt  }
0x5d: {  	_ =	shalt  }
0x5e: {  	_ =	shalt  }
0x5f: {  	_ =	shalt  }
0x60: {  	_ =	shalt  }
0x61: {  	_ =	shalt  }
0x62: {  	_ =	shalt  }
0x63: {  	_ =	shalt  }
0x64: {  	_ =	shalt  }
0x65: {  	_ =	shalt  }
0x66: {  	_ =	shalt  }
0x67: {  	_ =	shalt  }
0x68: {  	_ =	shalt  }
0x69: {  	_ =	shalt  }
0x6a: {  	_ =	shalt  }
0x6b: {  	_ =	shalt  }
0x6c: {  	_ =	shalt  }
0x6d: {  	_ =	shalt  }
0x6e: {  	_ =	shalt  }
0x6f: {  	_ =	shalt  }
0x70: {  	_ =	shalt  }
0x71: {  	_ =	shalt  }
0x72: {  	_ =	shalt  }
0x73: {  	_ =	shalt  }
0x74: {  	_ =	shalt  }
0x75: {  	_ =	shalt  }
0x76: {  	_ =	shalt  }
0x77: {  	_ =	shalt  }
0x78: {  	_ =	shalt  }
0x79: {  	_ =	shalt  }
0x7a: {  	_ =	shalt  }
0x7b: {  	_ =	shalt  }
0x7c: {  	_ =	shalt  }
0x7d: {  	_ =	shalt  }
0x7e: {  	_ =	shalt  }
0x7f: {  	_ =	shalt  }
0x80: {  	_ =	shalt  }
0x81: {  	_ =	shalt  }
0x82: {  	_ =	shalt  }
0x83: {  	_ =	shalt  }
0x84: {  	_ =	shalt  }
0x85: {  	_ =	shalt  }
0x86: {  	_ =	shalt  }
0x87: {  	_ =	shalt  }
.Lfunc_end0:
.L_simem_size_0:
called_computation_lowered:
.L_overlay_start_0:
0x88: {  	s2 =	sld [smem:$0x3FD9]  }
0x89: {  	s3 =	sld [smem:$0x3FFE];
	_ =	sdelay $0x1  }
0x8a: {  	s1 =	srdreg.scid  }
0x8b: {  	s0 =	sand.u32 $0x1, s1  }
0x8c: {  	s17 =	sshll.u32 s0, $0xA;
	s2 =	sadd.s32 s3, s2  }
0x8d: {  	s2 =	sadd.s32 s2, s17  }
0x8e: {  	[smem:$0x3FBD] =	sst s2  }
0x8f: {  	_ = 	snop  }
0x90: {  	s2 =	sld [smem:$0x3FC8]  }
0x91: {  	s18 =	sld [smem:$0x3FD0];
	(tm) =	ssettm $0x1  }
0x92: {  	s4 =	sld [smem:$0x3FFB];
	_ =	sdelay $0x3  }
0x93: {  	_ =	strace s4  }
0x94: {  	s4 =	sld [smem:$0x3FFC];
	_ =	sdelay $0x3  }
0x95: {  	_ =	strace s4  }
0x96: {  	s4 =	sld [smem:$0x3FFD];
	_ =	sdelay $0x3  }
0x97: {  	_ =	strace s4  }
0x98: {  	_ =	strace $0x8FFFFFFF  }
0x99: {  	s19 =	sld [smem:$0x3FDB];
	_ =	sdelay $0x1  }
0x9a: {  	s5 =	simm.s32 $_scs_section_size  }
0x9b: {  	s6 =	simm.s32 $_size__tile_overlayer_lowered;
	s7 =	simm.s32 $_tile_overlayer_lowered  }
0x9c: {  	s22 =	simm.s32 $0x1BFF;
	s21 =	sshll.u32 s7, $0x1;
	s4 =	sadd.s32 s5, s19  }
0x9d: {  	s8 =	simm.s32 $0x0;
	s20 =	sshll.u32 s6, $0x1;
	s6 =	sadd.s32 s21, s4  }
0x9e: {  	[timem:s8], [sflag:s22] =	dma.local [hbm:s6], s20  }
0x9f: {  	_ =	swait.ge [sflag:s22], s20  }
0xa0: {  	s5 =	ssub.s32 $0x0, s20;
	[sflag:s22] =	ssyncset.done $0x0  }
0xa1: {  	[sflag:s22] =	ssyncadd.s32 s5;
	_ =	sdelay $0x1  }
0xa2: {  	s23 =	simm.s32 $0x1B8B  }
0xa3: {  	_ =	swait.ge [sflag:s23], $0x1  }
0xa4: {  	[sflag:s23] =	ssyncset.done $0x0  }
0xa5: {  	s25 =	simm.s32 $0x1B8E;
	s24 =	sld [smem:$0x3FFE];
	[sflag:s23] =	ssyncadd.s32 $0xFFFFFFFF  }
0xa6: {  	s26 =	simm.s32 $execute0_lowered;
	[smem:$0x3FD2] =	sst s25  }
0xa7: {  	s6 =	sshll.u32 s26, $0x1;
	_ =	strace $0x80000046;
	[dreg:$0x1] =	wrdreg $0xFFFFFFFF  }
0xa8: {  	s28 =	simm.s32 $_size_execute0_lowered;
	s4 =	sadd.s32 s4, s6;
	[dreg:$0x0] =	wrdreg $0x0  }
0xa9: {  	s6 =	sshll.u32 s28, $0x1;
	[dreg:$0x2] =	wrdreg s4  }
0xaa: {  	[dreg:$0x3] =	wrdreg s6  }
0xab: {  	[dreg:$0x4] =	wrdreg $0xC0  }
0xac: {  	_ =	task [dreg:s8], $0x5FFFF  }
0xad: {  	[dreg:$0x1] =	wrdreg $0xFFFFFFFF  }
0xae: {  	[dreg:$0x0] =	wrdreg $0x60  }
0xaf: {  	[dreg:$0x2] =	wrdreg s24  }
0xb0: {  	[dreg:$0x3] =	wrdreg s2  }
0xb1: {  	[dreg:$0x4] =	wrdreg s18  }
0xb2: {  	[dreg:$0x5] =	wrdreg $0x9  }
0xb3: {  	_ =	task.clear_ibuf [dreg:s8], $0x6FFFF;
	_ =	strace $0x90000046  }
0xb4: {  	s29 =	simm.s32 $0x9;
	_ =	strace $0x80000048  }
0xb5: {  	_ =	swait.ge [sflag:s29], $0x1  }
0xb6: {  	[sflag:s29] =	ssyncadd.s32 $0xFFFFFFFF  }
0xb7: {  	_ =	strace $0x90000048  }
0xb8: {  	_ =	sfence  }
0xb9: {  	s30 =	sld [smem:$0x0];
	_ =	sdelay $0x2  }
0xba: {  	s31 =	sshll.u32 s1, $0xD;
	s1 =	sshrl.u32 s1, $0x2  }
0xbb: {  	s3 =	sand.u32 $0x4000, s31;
	s1 =	sadd.s32 s1, s30  }
0xbc: {  	s0 =	sor.u32 s3, s0;
	s1 =	sshll.u32 s1, $0x11  }
0xbd: {  	s0 =	sor.u32 s1, s0  }
0xbe: {  	s0 =	sadd.s32 $0x8F2B, s0  }
0xbf: {  	[sflag:s0] =	ssyncadd.remote.s32 $0x1  }
0xc0: {  	_ =	sfence.sel $0xFFFF  }
0xc1: {  	[dreg:$0x0] =	wrdreg $0xFFFFFFFF;
	(pc) =	sbr.abs _section_cstart, $3  }
0xc2: {  	[dreg:$0x1] =	wrdreg $0xFFFFFFFF  }
0xc3: {  	_ =	task.clear_ibuf [dreg:s8], $0x2FFFF;
	_ =	strace $0x9FFFFFFF  }
0xc4: {  	(tm) =	ssettm $0x7FFFFFFF  }
0xc5: {  	_ =	shalt  }
tec
execute0_lowered:
.L_overlay_start_1:
0x0: {  	(tag) =	ssettag $0x1  }
0x1: {  	s7 =	rddreg [dreg:$0x0]  }
0x2: {  	s2 =	rddreg [dreg:$0x1];
	s1 =	srdreg.scid  }
0x3: {  	s0 =	stileid.u32;
	s8 =	rddreg [dreg:$0x2];
	s3 =	simm.s32 $0x0  }
0x4: {  	s15 =	simm.s32 $0x9000;
	s16 =	simm.s32 $0xC000;
	s17 =	simm.s32 $0xE780  }
0x5: {  	s18 =	simm.s32 $0x10F00;
	s9 =	sand.u32 $0x1, s1;
	s1 =	rddreg [dreg:$0x3]  }
0x6: {  	s19 =	simm.s32 $0x0;
	s4 =	sshll.u32 s0, $0x1;
	[smem:$0x7FF] =	sst s3  }
0x7: {  	s5 =	sadd.s32 $0x2000, s7;
	s13 =	smul.u32 $0x4E20, s0;
	s4 =	sor.u32 s9, s4  }
0x8: {  	s6 =	sadd.s32 $0x1A00, s7;
	s11 =	ssub.s32 $0x2, s9;
	s10 =	smul.u32 $0x2710, s4  }
0x9: {  	_ =	strace $0x80000047;
	s14 =	smul.u32 $0x2710, s9;
	s31 =	sshrl.u32 s11, $0x1  }
0xa: {  	s4 =	sadd.s32 $0x2600, s7;
	s11 =	ssub.s32 s11, s31;
	s10 =	sshrl.u32 s10, $0x3  }
0xb: {  	s12 =	sadd.s32 s10, s7;
	s7 =	sadd.s32 s8, s10;
	s10 =	smax.u32 s11, $0x1  }
0xc: {  	s11 =	sadd.s32 s14, s13;
	s13 =	simm.s32 $0x3000;
	s14 =	simm.s32 $0x6000  }
0xd: {  	s8 =	sadd.s32 $0xCA00, s12;
	s9 =	sadd.s32 $0x2C00, s12;
	s12 =	simm.s32 $0x1  }
.LBB2_1:
0xe: {  	[tilespmem:s3], [sflag:$0x1] =	stream.linear.gather [hbm4b:s4+s3], $0x3000, $0x38;
	[tilespmem:$0x13680] =	vst v63  }
0xf: {  	_ =	swait.ge [sflag:s12], $0x3000  }
0x10: {  	[sflag:s12] =	ssyncset.done $0x0  }
0x11: {  	[sflag:s12] =	ssyncadd.s32 $0xFFFFD000  }
0x12: {  	[tilespmem:s13], [sflag:$0x1] =	stream.linear.gather [hbm4b:s5+s3], $0x3000, $0x38;
	[tilespmem:$0x13680] =	vst v63  }
0x13: {  	_ =	swait.ge [sflag:s12], $0x3000  }
0x14: {  	[sflag:s12] =	ssyncset.done $0x0  }
0x15: {  	[sflag:s12] =	ssyncadd.s32 $0xFFFFD000  }
0x16: {  	[tilespmem:s14], [sflag:$0x1] =	stream.linear.gather [hbm4b:s6+s3], $0x3000, $0x38;
	[tilespmem:$0x13680] =	vst v63  }
0x17: {  	_ =	swait.ge [sflag:s12], $0x3000  }
0x18: {  	[sflag:s12] =	ssyncset.done $0x0  }
0x19: {  	[sflag:s12] =	ssyncadd.s32 $0xFFFFD000  }
0x1a: {  	[tilespmem:s15], [sflag:$0x1] =	stream.linear.gather [hbm4b:s2+s3], $0x3000, $0x38;
	[tilespmem:$0x13680] =	vst v63  }
0x1b: {  	_ =	swait.ge [sflag:s12], $0x3000  }
0x1c: {  	[sflag:s12] =	ssyncset.done $0x0  }
0x1d: {  	[sflag:s12] =	ssyncadd.s32 $0xFFFFD000  }
0x1e: {  	[tilespmem:s16], [sflag:$0x1] =	stream.linear.gather [hbm4b:s7+s3], $0x2710, $0x38;
	[tilespmem:$0x13680] =	vst v63  }
0x1f: {  	_ =	swait.ge [sflag:s12], $0x2710  }
0x20: {  	[sflag:s12] =	ssyncset.done $0x0  }
0x21: {  	s20 =	simm.s32 $0x0;
	[sflag:s12] =	ssyncadd.s32 $0xFFFFD8F0  }
0x22: {  	s21 =	sshrl.u32 s11, $0x5;
	v1 =	vld [tilespmem:s20+$0xC000]  }
0x23: {  	v0 =	vmov s21;
	_ =	sdelay $0x4  }
0x24: {  	v2 =	vld.idx.msk [tilespmem:v0+s3+$0x0], $0xffff  }
0x25: {  	v5 =	vld.idx.msk [tilespmem:v0+s13+$0x0], $0xffff  }
0x26: {  	v3 =	vld.idx.msk [tilespmem:v1+s3+$0x0], $0xffff  }
0x27: {  	v4 =	vld.idx.msk [tilespmem:v1+s13+$0x0], $0xffff  }
0x28: {  	v0 =	vld.idx.msk [tilespmem:v0+s14+$0x0], $0xffff  }
0x29: {  	v6 =	vld.idx.msk [tilespmem:v1+s14+$0x0], $0xffff;
	_ =	sdelay $0x2  }
0x2a: {  	v2 =	vsub.f32 v3, v2;
	v3 =	vsub.f32 v4, v5;
	_ =	sdelay $0x1  }
0x2b: {  	v0 =	vsub.f32 v6, v0;
	v2 =	vmul.f32 v2, v2;
	v3 =	vmul.f32 v3, v3;
	_ =	sdelay $0x1  }
0x2c: {  	v0 =	vmul.f32 v0, v0;
	v2 =	vadd.f32 v3, v2;
	_ =	sdelay $0x1  }
0x2d: {  	s23 =	simm.s32 $0x10;
	v2 =	vadd.f32 v0, v2  }
0x2e: {  	v0 =	vld [tilespmem:s23+$0xC000]  }
0x2f: {  	s21 =	sadd.s32 $0x10, s11;
	[tilespmem:s20+$0xE780] =	vst v2  }
0x30: {  	s22 =	simm.s32 $0x80;
	s24 =	sshrl.u32 s21, $0x5;
	v1 =	vld.idx.msk [tilespmem:v1+s15+$0x0], $0xffff  }
.LBB2_2:
0x31: {  	p0 =	sne.s32 s22, $0x9C00;
	v2 =	vmov s24;
	_ =	sdelay $0x1  }
0x32: {  	v3 =	vmov v0;
	_ =	sdelay $0x1  }
0x33: {  	[tilespmem:s20+$0x10F00] =	vst v1;
	s20 =	smov.u32 s23  }
0x34: {  	v1 =	vld.idx.msk [tilespmem:v2+s3+$0x0], $0xffff  }
0x35: {  	v0 =	vld.idx.msk [tilespmem:v0+s3+$0x0], $0xffff  }
0x36: {  	v4 =	vld.idx.msk [tilespmem:v3+s13+$0x0], $0xffff  }
0x37: {  	v5 =	vld.idx.msk [tilespmem:v2+s13+$0x0], $0xffff  }
0x38: {  	v6 =	vld.idx.msk [tilespmem:v3+s14+$0x0], $0xffff  }
0x39: {  	v2 =	vld.idx.msk [tilespmem:v2+s14+$0x0], $0xffff;
	_ =	sdelay $0x3  }
0x3a: {  	v0 =	vsub.f32 v0, v1;
	v1 =	vsub.f32 v4, v5;
	_ =	sdelay $0x1  }
0x3b: {  	v0 =	vmul.f32 v0, v0;
	v2 =	vsub.f32 v6, v2;
	v1 =	vmul.f32 v1, v1;
	_ =	sdelay $0x1  }
0x3c: {  	v0 =	vadd.f32 v1, v0;
	v1 =	vmul.f32 v2, v2;
	_ =	sdelay $0x1  }
.Ltmp0:
0x3d: {  	v1 =	vadd.f32 v1, v0;
	(pc) =	sbr.rel @p0 .LBB2_2-.Ltmp0, $4  }
0x3e: {  	s23 =	sshra.s32 s22, $0x2  }
0x3f: {  	v0 =	vld [tilespmem:s23+$0xC000];
	[tilespmem:s20+$0xE780] =	vst v1  }
0x40: {  	s21 =	sadd.s32 $0x10, s21;
	v1 =	vld.idx.msk [tilespmem:v3+s15+$0x0], $0xffff  }
0x41: {  	s24 =	sshrl.u32 s21, $0x5;
	s22 =	sadd.s32 $0x40, s22  }
0x42: {  	_ =	sdelay $0x2  }
0x43: {  	v2 =	vmov s24;
	_ =	sdelay $0x1  }
0x44: {  	[tilespmem:s20+$0x10F00] =	vst v1  }
0x45: {  	v3 =	vld.idx.msk [tilespmem:v0+s3+$0x0], $0xffff  }
0x46: {  	v4 =	vld.idx.msk [tilespmem:v0+s13+$0x0], $0xffff  }
0x47: {  	v1 =	vld.idx.msk [tilespmem:v2+s3+$0x0], $0xffff  }
0x48: {  	v5 =	vld.idx.msk [tilespmem:v2+s13+$0x0], $0xffff  }
0x49: {  	v6 =	vld.idx.msk [tilespmem:v0+s14+$0x0], $0xffff  }
0x4a: {  	v2 =	vld.idx.msk [tilespmem:v2+s14+$0x0], $0xffff;
	_ =	sdelay $0x2  }
0x4b: {  	v1 =	vsub.f32 v3, v1;
	v62 =	vsub.f32 v4, v5;
	_ =	sdelay $0x1  }
0x4c: {  	v2 =	vsub.f32 v6, v2;
	v1 =	vmul.f32 v1, v1;
	v3 =	vmul.f32 v62, v62;
	_ =	sdelay $0x1  }
0x4d: {  	v2 =	vmul.f32 v2, v2;
	v1 =	vadd.f32 v3, v1;
	_ =	sdelay $0x1  }
0x4e: {  	v1 =	vadd.f32 v2, v1;
	_ =	sdelay $0x1  }
0x4f: {  	[tilespmem:s23+$0xE780] =	vst v1  }
0x50: {  	v63 =	vld.idx.msk [tilespmem:v0+s15+$0x0], $0xffff;
	_ =	sdelay $0x4  }
0x51: {  	[tilespmem:s23+$0x10F00] =	vst v63  }
0x52: {  	[hbm4b:s8+s3] =	stream.linear.scatter [tilespmem:s17], [sflag:$0x1], $0x2710, $0x38;
	[tilespmem:$0x13680] =	vst v63  }
0x53: {  	s19 =	sadd.s32 $0x1, s19;
	_ =	swait.ge [sflag:s12], $0x2710  }
0x54: {  	p0 =	sne.s32 s19, s10;
	[sflag:s12] =	ssyncset.done $0x0  }
.Ltmp1:
0x55: {  	[sflag:s12] =	ssyncadd.s32 $0xFFFFD8F0;
	(pc) =	sbr.rel @p0 .LBB2_1-.Ltmp1, $4  }
0x56: {  	[hbm4b:s9+s3] =	stream.linear.scatter [tilespmem:s18], [sflag:$0x1], $0x2710, $0x38;
	[tilespmem:$0x13680] =	vst v63  }
0x57: {  	_ =	swait.ge [sflag:s12], $0x2710  }
0x58: {  	[sflag:s12] =	ssyncset.done $0x0  }
0x59: {  	[sflag:s12] =	ssyncadd.s32 $0xFFFFD8F0  }
0x5a: {  	_ =	sfence.sel $0x180000  }
0x5b: {  	[bflag:$0x0] =	sbarrier.arrive $0xFFFF  }
0x5c: {  	p0 =	sne.s32 s0, $0x0;
	_ =	strace $0x90000047  }
0x5d: {  	s0 =	sadd.s32 @!p0 $0x100000, s1;
	[bflag:$0x2] =	sbarrier.arrive $0xFFFF  }
0x5e: {  	[sflag:s0] =	ssyncadd.tile.s32 @!p0 $0x1;
	_ =	shalt  }
.Lfunc_end2:
_tile_overlayer_lowered:
.L_overlay_start_2:
0x5f: {  	(tag) =	ssettag $0x2  }
0x60: {  	s0 =	rddreg [dreg:$0x0];
	s2 =	stileid.u32  }
0x61: {  	s1 =	rddreg [dreg:$0x1];
	p0 =	sne.s32 s2, $0x0  }
0x62: {  	s3 =	rddreg [dreg:$0x2];
	[bflag:$0x3] =	sbarrier.arrive $0xFFFF;
	s2 =	simm.s32 @!p0 $0x1C01  }
0x63: {  	[timem:s3], [sflag:s2] =	dma.local @!p0 [hbm:s0], s1  }
0x64: {  	s0 =	simm.s32 @!p0 $0x1  }
0x65: {  	_ =	swait.ge @!p0 [sflag:s0], s1  }
0x66: {  	s1 =	ssub.s32 @!p0 $0x0, s1;
	[sflag:s0] =	ssyncset.done @!p0 $0x0  }
0x67: {  	[sflag:s0] =	ssyncadd.s32 @!p0 s1  }
0x68: {  	[bflag:$0x3] =	sbarrier.arrive $0xFFFF  }
0x69: {  	_ =	shalt  }

</sc_bundles>
